<compile_context>
chip_gen: v7x
topology: tpu7x:2x2x1
jax: 0.10.2.dev20260603
libtpu: 0.0.44.dev20260713+nightly
codegen_flags: <defaults>
</compile_context>

<pallas_src>
import functools

import jax
import jax.numpy as jnp
from jax import lax
from jax.experimental import pallas as pl
from jax.experimental.pallas import tpu as pltpu
from jax.experimental.pallas import tpu_sc as plsc

N_NODES = 50000
NUM_REL = 3
NUM_GRAPHS = 64
EMBED = 64
HIDDEN = 64
NUM_CLS = 2

BLK = 1024
NP = 51200
NBLK = NP // BLK


def _dense_body(h_ref, s_ref, cnt_ref, batch_ref, wrel_ref, wroot_ref, b_ref,
                linw_ref, linb_ref, out_ref, gsum, gcnt):
    i = pl.program_id(0)

    @pl.when(i == 0)
    def _():
        gsum[...] = jnp.zeros_like(gsum)
        gcnt[...] = jnp.zeros_like(gcnt)

    h = h_ref[...]
    cnt = cnt_ref[:, pl.ds(i * BLK, BLK)]
    inv = 1.0 / jnp.maximum(cnt, 1.0)
    valid = (jax.lax.broadcasted_iota(jnp.int32, (BLK, 1), 0) + i * BLK) < N_NODES

    acc = jnp.dot(h, wroot_ref[...], preferred_element_type=jnp.float32)
    for r in range(NUM_REL):
        sr = s_ref[r] * inv[r][:, None]
        acc = acc + jnp.dot(sr, wrel_ref[r], preferred_element_type=jnp.float32)
    out = jax.nn.relu(acc + b_ref[...])
    out = jnp.where(valid, out, 0.0)

    b_ids = batch_ref[0, 0, :]
    onehot = (jax.lax.broadcasted_iota(jnp.int32, (NUM_GRAPHS, BLK), 0)
              == b_ids[None, :]).astype(jnp.float32)
    gsum[...] += jnp.dot(onehot, out, preferred_element_type=jnp.float32)
    gcnt[...] += jnp.dot(onehot, jnp.ones((BLK, 8), jnp.float32),
                         preferred_element_type=jnp.float32)

    @pl.when(i == NBLK - 1)
    def _():
        g = gsum[...] / jnp.maximum(gcnt[:, 0:1], 1.0)
        out_ref[...] = jnp.dot(g, linw_ref[...],
                               preferred_element_type=jnp.float32) + linb_ref[...]


@functools.partial(jax.jit, static_argnames=())
def _dense_fuse(h_p, s_p, cnt_p, batch_p, W_rel, W_root, b_conv, lin_W, lin_b):
    return pl.pallas_call(
        _dense_body,
        grid=(NBLK,),
        in_specs=[
            pl.BlockSpec((BLK, EMBED), lambda i: (i, 0)),
            pl.BlockSpec((NUM_REL, BLK, EMBED), lambda i: (0, i, 0)),
            pl.BlockSpec((NUM_REL, NP), lambda i: (0, 0)),
            pl.BlockSpec((1, 1, BLK), lambda i: (i, 0, 0)),
            pl.BlockSpec((NUM_REL, EMBED, HIDDEN), lambda i: (0, 0, 0)),
            pl.BlockSpec((EMBED, HIDDEN), lambda i: (0, 0)),
            pl.BlockSpec((1, HIDDEN), lambda i: (0, 0)),
            pl.BlockSpec((HIDDEN, NUM_CLS), lambda i: (0, 0)),
            pl.BlockSpec((1, NUM_CLS), lambda i: (0, 0)),
        ],
        out_specs=pl.BlockSpec((NUM_GRAPHS, NUM_CLS), lambda i: (0, 0)),
        out_shape=jax.ShapeDtypeStruct((NUM_GRAPHS, NUM_CLS), jnp.float32),
        scratch_shapes=[
            pltpu.VMEM((NUM_GRAPHS, HIDDEN), jnp.float32),
            pltpu.VMEM((NUM_GRAPHS, 8), jnp.float32),
        ],
    )(h_p, s_p, cnt_p, batch_p, W_rel, W_root, b_conv, lin_W, lin_b)


_SC_MESH = plsc.VectorSubcoreMesh(core_axis_name="c", subcore_axis_name="s")
NW = 32
ROWS_PER_W = NP // NW


def _gather_h_body(x_hbm, embed_hbm, out_hbm, idx_v, rows_v, sem):
    wid = lax.axis_index("s") * 2 + lax.axis_index("c")
    base = wid * ROWS_PER_W
    pltpu.sync_copy(x_hbm.at[pl.ds(base, ROWS_PER_W)], idx_v)
    pltpu.async_copy(embed_hbm.at[idx_v], rows_v, sem).wait()
    pltpu.sync_copy(rows_v, out_hbm.at[pl.ds(base, ROWS_PER_W)])


@jax.jit
def _gather_h(x_p, embed):
    return pl.kernel(
        _gather_h_body,
        out_type=jax.ShapeDtypeStruct((NP, EMBED), jnp.float32),
        mesh=_SC_MESH,
        scratch_types=[
            pltpu.VMEM((ROWS_PER_W,), jnp.int32),
            pltpu.VMEM((ROWS_PER_W, EMBED), jnp.float32),
            pltpu.SemaphoreType.DMA,
        ],
        compiler_params=pltpu.CompilerParams(use_tc_tiling_on_sc=False),
    )(x_p, embed)


EP = 819200
ESH = EP // 16
CHUNK = 1024
NCH = ESH // CHUNK
HALF = N_NODES // 2
ACC_R = 25088
TSL = ACC_R // 16
GBLK = 64
MAXBLK = (CHUNK + GBLK - 1) // GBLK + 1
TRASH = CHUNK + GBLK
IDXBUF = TRASH + 16


def _scatter_body(epk, h_hbm, z2d, z1d, s_out, cnt_out,
                  ebuf, gidx_f, didx_f, didx2, rows, ones_b,
                  acc, cnt_acc, sem_e, sem0, sem1):
    c_idx = lax.axis_index("c")
    t_idx = lax.axis_index("s")
    lo = c_idx * HALF
    blk0 = t_idx * NCH
    iota = lax.iota(jnp.int32, 16)
    for k in range(4):
        ones_b[pl.ds(k * 16, 16)] = jnp.full((16,), 1.0, jnp.float32)

    sems = [sem0, sem1]

    for r in range(NUM_REL):
        pltpu.sync_copy(z2d, acc.at[pl.ds(t_idx * TSL, TSL)])
        pltpu.sync_copy(z1d, cnt_acc.at[pl.ds(t_idx * TSL, TSL)])
        plsc.subcore_barrier()

        for b in range(2):
            pltpu.async_copy(epk.at[blk0 + b], ebuf.at[b], sem_e)

        def pair_body(p, _, r=r):
          for b in range(2):
            pltpu.make_async_copy(epk.at[0], ebuf.at[b], sem_e).wait()

            def step(i, off, b=b):
                sl = pl.ds(i * 16, 16)
                s16 = ebuf[b, 0, sl]
                d16 = ebuf[b, 1, sl]
                t16 = ebuf[b, 2, sl]
                m = (t16 == r) & (d16 >= lo) & (d16 < lo + HALF)
                csum = plsc.cumsum(m.astype(jnp.int32))
                pos = jnp.where(m, off + csum - 1, TRASH + iota)
                plsc.store_scatter(gidx_f, [pos], s16)
                plsc.store_scatter(didx_f, [pos], d16 - lo)
                return off + csum[15]

            off = lax.fori_loop(0, CHUNK // 16, step, jnp.int32(0))

            @pl.when(p * 2 + b + 2 < NCH)
            def _pref(b=b):
                pltpu.async_copy(epk.at[blk0 + p * 2 + b + 2], ebuf.at[b], sem_e)

            for k in range(4):
                didx_f[pl.ds(off + k * 16, 16)] = HALF + k * 16 + iota
                gidx_f[pl.ds(off + k * 16, 16)] = k * 16 + iota
            for j in range(MAXBLK):
                for k in range(4):
                    didx2[j, pl.ds(k * 16, 16)] = didx_f[pl.ds(j * GBLK + k * 16, 16)]

            nblk = (off + GBLK - 1) // GBLK
            hnd = [None] * MAXBLK
            for j in range(MAXBLK + 1):
                if j < MAXBLK:
                    @pl.when(j < nblk)
                    def _fire(j=j):
                        hnd[j] = pltpu.async_copy(
                            h_hbm.at[gidx_f.at[pl.ds(j * GBLK, GBLK)]],
                            rows.at[j % 2], sems[j % 2])
                if j >= 1:
                    jj = j - 1

                    @pl.when(jj < nblk)
                    def _drain(jj=jj):
                        hnd[jj].wait()
                        pltpu.sync_copy(rows.at[jj % 2],
                                        acc.at[didx2.at[jj]], add=True)
                        pltpu.sync_copy(ones_b, cnt_acc.at[didx2.at[jj]], add=True)
          return 0

        lax.fori_loop(0, NCH // 2, pair_body, 0)
        plsc.subcore_barrier()

        @pl.when(t_idx < 15)
        def _():
            pltpu.sync_copy(acc.at[pl.ds(t_idx * TSL, TSL)],
                            s_out.at[r].at[pl.ds(lo + t_idx * TSL, TSL)])
            pltpu.sync_copy(cnt_acc.at[pl.ds(t_idx * TSL, TSL)],
                            cnt_out.at[r].at[pl.ds(lo + t_idx * TSL, TSL)])

        @pl.when(t_idx == 15)
        def _():
            pltpu.sync_copy(acc.at[pl.ds(15 * TSL, HALF - 15 * TSL)],
                            s_out.at[r].at[pl.ds(lo + 15 * TSL, HALF - 15 * TSL)])
            pltpu.sync_copy(cnt_acc.at[pl.ds(15 * TSL, HALF - 15 * TSL)],
                            cnt_out.at[r].at[pl.ds(lo + 15 * TSL, HALF - 15 * TSL)])


@jax.jit
def _scatter_s(epk, h_full):
    z2d = jnp.zeros((TSL, EMBED), jnp.float32)
    z1d = jnp.zeros((TSL,), jnp.float32)
    return pl.kernel(
        _scatter_body,
        out_type=(jax.ShapeDtypeStruct((NUM_REL, NP, EMBED), jnp.float32),
                  jax.ShapeDtypeStruct((NUM_REL, NP), jnp.float32)),
        mesh=_SC_MESH,
        scratch_types=[
            pltpu.VMEM((2, 3, CHUNK), jnp.int32),
            pltpu.VMEM((IDXBUF,), jnp.int32),
            pltpu.VMEM((IDXBUF,), jnp.int32),
            pltpu.VMEM((MAXBLK, GBLK), jnp.int32),
            pltpu.VMEM((2, GBLK, EMBED), jnp.float32),
            pltpu.VMEM((GBLK,), jnp.float32),
            pltpu.VMEM_SHARED((ACC_R, EMBED), jnp.float32),
            pltpu.VMEM_SHARED((ACC_R,), jnp.float32),
            pltpu.SemaphoreType.DMA,
            pltpu.SemaphoreType.DMA,
            pltpu.SemaphoreType.DMA,
        ],
        compiler_params=pltpu.CompilerParams(use_tc_tiling_on_sc=False,
                                             needs_layout_passes=False),
    )(epk, h_full, z2d, z1d)


def kernel(x, edge_index, edge_type, batch, embed, W_rel, W_root, b_conv, lin_W, lin_b):
    src = edge_index[0]
    dst = edge_index[1]
    x_p = jnp.pad(x.astype(jnp.int32), (0, NP - N_NODES))
    h_full = _gather_h(x_p, embed)

    n_e = src.shape[0]
    srcp = jnp.pad(src.astype(jnp.int32), (0, EP - n_e))
    dstp = jnp.pad(dst.astype(jnp.int32), (0, EP - n_e))
    typp = jnp.pad(edge_type.astype(jnp.int32), (0, EP - n_e), constant_values=-1)
    epk = jnp.stack([srcp, dstp, typp]).reshape(3, EP // CHUNK, CHUNK)
    epk = epk.transpose(1, 0, 2)
    s_p, cnt_p = _scatter_s(epk, h_full)

    pad = NP - N_NODES
    h_p = h_full
    batch_p = jnp.pad(batch.astype(jnp.int32), (0, pad),
                      constant_values=NUM_GRAPHS).reshape(NBLK, 1, BLK)

    return _dense_fuse(h_p, s_p, cnt_p, batch_p, W_rel, W_root,
                       b_conv.reshape(1, HIDDEN), lin_W, lin_b.reshape(1, NUM_CLS))

# --- scband reference (transcript-rebuilt; emitter-appended) ---
"""Pipeline reference for scband-shallow-rgcn-88648124990150 (READ-ONLY COPY).

The authoritative reference and input builder live on the scoring server;
editing this copy changes nothing except your own understanding.
"""

import jax, jax.numpy as jnp
import numpy as np

N_NODES = 50000
N_EDGES = 800000
VOCAB = 100000
EMBED = 64
HIDDEN = 64
NUM_REL = 3
NUM_CLS = 2
NUM_GRAPHS = 64


def setup_inputs(seed: int = 0) -> dict:
    key = jax.random.key(seed)
    ks = jax.random.split(key, 10)
    x = jax.random.randint(ks[0], (N_NODES,), 0, VOCAB)
    edge_index = jax.random.randint(ks[1], (2, N_EDGES), 0, N_NODES)
    edge_type = jax.random.randint(ks[2], (N_EDGES,), 0, NUM_REL)
    batch = jnp.sort(jax.random.randint(ks[3], (N_NODES,), 0, NUM_GRAPHS))
    embed = jax.random.normal(ks[4], (VOCAB, EMBED), dtype=jnp.float32) * 0.02
    embed = embed.at[0].set(0.0)  # padding_idx=0
    W_rel = jax.random.normal(ks[5], (NUM_REL, EMBED, HIDDEN), dtype=jnp.float32) * 0.1
    W_root = jax.random.normal(ks[6], (EMBED, HIDDEN), dtype=jnp.float32) * 0.1
    b_conv = jnp.zeros((HIDDEN,), dtype=jnp.float32)
    lin_W = jax.random.normal(ks[7], (HIDDEN, NUM_CLS), dtype=jnp.float32) * 0.1
    lin_b = jnp.zeros((NUM_CLS,), dtype=jnp.float32)
    return {"x": x, "edge_index": edge_index, "edge_type": edge_type, "batch": batch,
            "embed": embed, "W_rel": W_rel, "W_root": W_root, "b_conv": b_conv,
            "lin_W": lin_W, "lin_b": lin_b}


def reference(x, edge_index, edge_type, batch, embed, W_rel, W_root, b_conv, lin_W, lin_b):
    # nn.Embedding lookup
    h = jnp.take(embed, x, axis=0)  # [N, EMBED]
    src = edge_index[0]
    dst = edge_index[1]
    h_src = jnp.take(h, src, axis=0)  # [E, EMBED]
    # RGCNConv: root transform + per-relation mean aggregation
    out = h @ W_root + b_conv
    for r in range(NUM_REL):
        w = (edge_type == r).astype(jnp.float32)  # [E]
        msg = (h_src @ W_rel[r]) * w[:, None]  # [E, HIDDEN]
        s = jax.ops.segment_sum(msg, dst, num_segments=N_NODES)
        cnt = jax.ops.segment_sum(w, dst, num_segments=N_NODES)
        out = out + s / jnp.clip(cnt, 1.0)[:, None]
    out = jax.nn.relu(out)
    # global_mean_pool over graph-assignment ids
    gsum = jax.ops.segment_sum(out, batch, num_segments=NUM_GRAPHS)
    gcnt = jax.ops.segment_sum(jnp.ones((N_NODES,), jnp.float32), batch, num_segments=NUM_GRAPHS)
    g_emb = gsum / jnp.clip(gcnt, 1.0)[:, None]
    return g_emb @ lin_W + lin_b

if __name__ == "__main__":
    import jax
    _d = setup_inputs()
    print(jax.jit(kernel)(*tuple(_d.values())))

</pallas_src>

<mosaic_0001>
#map = affine_map<(d0, d1) -> (0)>
#map1 = affine_map<(d0, d1) -> (0, 0)>
module attributes {stable_mosaic.version = 14 : i64} {
  func.func @_gather_h_body(%arg0: i32, %arg1: i32, %arg2: memref<51200xi32, #tpu.memory_space<hbm>>, %arg3: memref<100000x64xf32, #tpu.memory_space<hbm>>, %arg4: memref<51200x64xf32, #tpu.memory_space<hbm>>, %arg5: memref<1600xi32, #tpu.memory_space<vmem>>, %arg6: memref<1600x64xf32, #tpu.memory_space<vmem>>, %arg7: memref<!tpu.dma_semaphore, #tpu.memory_space<semaphore_mem>>) attributes {dimension_semantics = [#tpu.dimension_semantics<core_parallel>, #tpu.dimension_semantics<subcore_parallel>], iteration_bounds = array<i64: 2, 16>, scalar_prefetch = 0 : i64, scratch_operands = 3 : i64, tpu.core_type = #tpu.core_type<sc_vector_subcore>, window_params = [{transform_indices = #map}, {transform_indices = #map1}, {transform_indices = #map1}]} {
    %mul3A = arith.constant 2 : i32
    %mul3A_0 = arith.muli %arg1, %mul3A : i32
    %add3A = arith.addi %mul3A_0, %arg0 : i32
    %mul3A_1 = arith.constant 1600 : i32
    %mul3A_2 = arith.muli %add3A, %mul3A_1 : i32
    "tpu.region"() ({
      %run_scoped3A = tpu.sem_alloc : memref<!tpu.dma_semaphore, #tpu.memory_space<semaphore_mem>>
      %dma_start3A_7 = tpu.memref_slice %arg2[%mul3A_2] : memref<51200xi32, #tpu.memory_space<hbm>> -> memref<1600xi32, #tpu.memory_space<hbm>>
      %dma_start3A_8 = tpu.memref_slice %arg2[%mul3A_2] : memref<51200xi32, #tpu.memory_space<hbm>> -> memref<1600xi32, #tpu.memory_space<hbm>>
      tpu.enqueue_dma source(%dma_start3A_8 : memref<1600xi32, #tpu.memory_space<hbm>>) target(%arg5 : memref<1600xi32, #tpu.memory_space<vmem>>) target_semaphore(%run_scoped3A : memref<!tpu.dma_semaphore, #tpu.memory_space<semaphore_mem>>)
      %dma_wait3A_9 = tpu.memref_slice %arg2[%mul3A_2] : memref<51200xi32, #tpu.memory_space<hbm>> -> memref<1600xi32, #tpu.memory_space<hbm>>
      %dma_wait3A_10 = tpu.memref_slice %arg2[%mul3A_2] : memref<51200xi32, #tpu.memory_space<hbm>> -> memref<1600xi32, #tpu.memory_space<hbm>>
      tpu.wait_dma2 semaphore(%run_scoped3A : memref<!tpu.dma_semaphore, #tpu.memory_space<semaphore_mem>>) src(%dma_wait3A_10 : memref<1600xi32, #tpu.memory_space<hbm>>) dst(%arg5 : memref<1600xi32, #tpu.memory_space<vmem>>)
      tpu.yield
    }) : () -> ()
    %dma_start3A = arith.constant 0 : i32
    %dma_start3A_3 = arith.constant 0 : i32
    %dma_start3A_4 = tpu.memref_slice %arg3[%dma_start3A, %dma_start3A_3] : memref<100000x64xf32, #tpu.memory_space<hbm>> -> memref<100000x64xf32, #tpu.memory_space<hbm>>
    tpu.enqueue_indirect_dma source(%dma_start3A_4 : memref<100000x64xf32, #tpu.memory_space<hbm>>) target(%arg6 : memref<1600x64xf32, #tpu.memory_space<vmem>>) offsets(%arg5 : memref<1600xi32, #tpu.memory_space<vmem>>) semaphore(%arg7 : memref<!tpu.dma_semaphore, #tpu.memory_space<semaphore_mem>>)
    %dma_wait3A = arith.constant 0 : i32
    %dma_wait3A_5 = arith.constant 0 : i32
    %dma_wait3A_6 = tpu.memref_slice %arg3[%dma_wait3A, %dma_wait3A_5] : memref<100000x64xf32, #tpu.memory_space<hbm>> -> memref<100000x64xf32, #tpu.memory_space<hbm>>
    tpu.wait_indirect_dma semaphore(%arg7 : memref<!tpu.dma_semaphore, #tpu.memory_space<semaphore_mem>>) src(%dma_wait3A_6 : memref<100000x64xf32, #tpu.memory_space<hbm>>) dst(%arg6 : memref<1600x64xf32, #tpu.memory_space<vmem>>)
    "tpu.region"() ({
      %run_scoped3A = tpu.sem_alloc : memref<!tpu.dma_semaphore, #tpu.memory_space<semaphore_mem>>
      %dma_start3A_7 = arith.constant 0 : i32
      %dma_start3A_8 = tpu.memref_slice %arg4[%mul3A_2, %dma_start3A_7] : memref<51200x64xf32, #tpu.memory_space<hbm>> -> memref<1600x64xf32, #tpu.memory_space<hbm>>
      %dma_start3A_9 = arith.constant 0 : i32
      %dma_start3A_10 = tpu.memref_slice %arg4[%mul3A_2, %dma_start3A_9] : memref<51200x64xf32, #tpu.memory_space<hbm>> -> memref<1600x64xf32, #tpu.memory_space<hbm>>
      tpu.enqueue_dma source(%arg6 : memref<1600x64xf32, #tpu.memory_space<vmem>>) target(%dma_start3A_10 : memref<1600x64xf32, #tpu.memory_space<hbm>>) target_semaphore(%run_scoped3A : memref<!tpu.dma_semaphore, #tpu.memory_space<semaphore_mem>>)
      %dma_wait3A_11 = arith.constant 0 : i32
      %dma_wait3A_12 = tpu.memref_slice %arg4[%mul3A_2, %dma_wait3A_11] : memref<51200x64xf32, #tpu.memory_space<hbm>> -> memref<1600x64xf32, #tpu.memory_space<hbm>>
      %dma_wait3A_13 = arith.constant 0 : i32
      %dma_wait3A_14 = tpu.memref_slice %arg4[%mul3A_2, %dma_wait3A_13] : memref<51200x64xf32, #tpu.memory_space<hbm>> -> memref<1600x64xf32, #tpu.memory_space<hbm>>
      tpu.wait_dma2 semaphore(%run_scoped3A : memref<!tpu.dma_semaphore, #tpu.memory_space<semaphore_mem>>) src(%arg6 : memref<1600x64xf32, #tpu.memory_space<vmem>>) dst(%dma_wait3A_14 : memref<1600x64xf32, #tpu.memory_space<hbm>>)
      tpu.yield
    }) : () -> ()
    return
  }
}

</mosaic_0001>

<sc_bundles>
// kernel: _gather_h.3.cloned.1.call-start
scs
__scs_entry_jumppad:
0x0: {  	(pc) =	sbr.rel $0x88, $3  }
0x1: {  	(tag) =	ssettag $0x0;
	lr =	simm.s32 $0x1  }
0x2: {  	[smem:$0x3F9F] =	sst lr;
	_ =	strace $0xD0000000  }
0x3: {  	_ = 	snop  }
0x4: {  	_ = 	snop  }
0x5: {  	_ = 	snop  }
0x6: {  	_ = 	snop  }
0x7: {  	_ = 	snop  }
__scs_overlays_trampoline_lowered:
0x8: {  	[smem:$0x3FAE] =	sst s0  }
0x9: {  	[smem:$0x3FAF] =	sst s1  }
0xa: {  	[smem:$0x3FB0] =	sst s2  }
0xb: {  	[smem:$0x3FB1] =	sst s3  }
0xc: {  	[smem:$0x3FB2] =	sst s4  }
0xd: {  	[smem:$0x3FB3] =	sst s5  }
0xe: {  	[smem:$0x3FB4] =	sst s6  }
0xf: {  	[smem:$0x3FB5] =	sst s7  }
0x10: {  	[smem:$0x3FB6] =	sst s8  }
0x11: {  	[smem:$0x3FB7] =	sst s9;
	s0 =	simm.s32 @!p0 $0x0  }
0x12: {  	s1 =	sld [smem:$0x3F9D];
	s0 =	simm.s32 @p0 $0x1  }
0x13: {  	[smem:$0x3FB8] =	sst s0;
	s0 =	simm.s32 @!p1 $0x0  }
0x14: {  	s2 =	sld [smem:$0x3F9C];
	s0 =	simm.s32 @p1 $0x1  }
0x15: {  	[smem:$0x3FB9] =	sst s0;
	s0 =	simm.s32 @!p2 $0x0  }
0x16: {  	s3 =	sld [smem:$0x3FDB];
	s0 =	simm.s32 @p2 $0x1  }
0x17: {  	s4 =	simm.s32 $0x1BF5;
	[smem:$0x3FBB] =	sst s0  }
0x18: {  	s0 =	sld [smem:$0x3F9E];
	_ =	swait.ge [sflag:s4], $0x0  }
0x19: {  	s7 =	sld [smem:$0x3F9F]  }
0x1a: {  	s8 =	sadd.s32 $0xFFFFE003, lr  }
0x1b: {  	s9 =	sadd.s32 $0xFFFFFEF7, lr;
	s5 =	simm.s32 $0xFFFFFFFF;
	p2 =	slt.u32 s8, $0xFFFFF086  }
0x1c: {  	p1 =	slt.u32 s9, $0xF7A;
	s5 =	simm.s32 @!p2 $0x0  }
0x1d: {  	s5 =	simm.s32 @p1 $0x1;
	p0 =	seq.s32 s7, s2  }
0x1e: {  	s7 =	smul.u32 @!p0 $0xF7A, s2;
	p2 =	seq.s32 @!p0 s5, $0x0  }
0x1f: {  	s9 =	smul.u32 $0xF7A, s1;
	s8 =	simm.s32 @!p0 $0x1BF5;
	p2 =	por !p2, p0  }
0x20: {  	[sflag:s8] =	ssyncset.s32 @!p0 $0xFFFFF086;
	s6 =	sadd.s32 @!p0 s3, s7;
	s7 =	simm.s32 @!p0 $0x108  }
0x21: {  	s3 =	sadd.s32 s3, s9;
	s6 =	sadd.s32 @!p0 $0x88, s6;
	s7 =	simm.s32 @p2 $0x1082  }
0x22: {  	[simem:s7], [sflag:s8] =	dma.local @!p0 [hbm:s6], $0xF7A  }
0x23: {  	s9 =	sor.u32 $0xD0000000, s2;
	s6 =	simm.s32 $0x108;
	_ =	swait.ge @!p0 [sflag:s8], $0x0  }
0x24: {  	s3 =	sadd.s32 $0x88, s3;
	s6 =	simm.s32 @!p1 $0x1082;
	[sflag:s4] =	ssyncset.s32 $0xFFFFF086  }
0x25: {  	[simem:s6], [sflag:s4] =	dma.local [hbm:s3], $0xF7A  }
0x26: {  	[smem:$0x3F9F] =	sst s1;
	(tag) =	ssettag s2;
	_ =	strace s9  }
0x27: {  	s1 =	sld [smem:$0x3FAF]  }
0x28: {  	s2 =	sld [smem:$0x3FB0]  }
0x29: {  	s4 =	sld [smem:$0x3FB2]  }
0x2a: {  	p0 =	seq.s32 s5, $0x0;
	s5 =	sld [smem:$0x3FB3]  }
0x2b: {  	s6 =	sld [smem:$0x3FB4]  }
0x2c: {  	s7 =	sld [smem:$0x3FB5]  }
0x2d: {  	s3 =	simm.s32 $0x108;
	s8 =	sld [smem:$0x3FB6]  }
0x2e: {  	s3 =	simm.s32 @!p0 $0x1082;
	s9 =	sld [smem:$0x3FB7]  }
0x2f: {  	lr =	sadd.s32 s0, s3;
	s0 =	sld [smem:$0x3FAE]  }
0x30: {  	s3 =	sld [smem:$0x3FB1]  }
0x31: {  	[smem:$0x3FBA] =	sst s10  }
0x32: {  	s10 =	sld [smem:$0x3FB8];
	_ =	sdelay $0x3  }
0x33: {  	p0 =	seq.s32 s10, $0x1;
	s10 =	sld [smem:$0x3FBA];
	_ =	sdelay $0x3  }
0x34: {  	[smem:$0x3FBA] =	sst s10  }
0x35: {  	s10 =	sld [smem:$0x3FB9];
	_ =	sdelay $0x3  }
0x36: {  	p1 =	seq.s32 s10, $0x1;
	s10 =	sld [smem:$0x3FBA];
	_ =	sdelay $0x3  }
0x37: {  	[smem:$0x3FBA] =	sst s10  }
0x38: {  	s10 =	sld [smem:$0x3FBB]  }
0x39: {  	_ = 	snop;
	(pc) =	sbr.ind lr, $3  }
0x3a: {  	_ = 	snop  }
0x3b: {  	_ = 	snop  }
0x3c: {  	p2 =	seq.s32 s10, $0x1;
	s10 =	sld [smem:$0x3FBA]  }
0x3d: {  	_ =	shalt  }
0x3e: {  	_ =	shalt  }
0x3f: {  	_ =	shalt  }
0x40: {  	_ =	shalt  }
0x41: {  	_ =	shalt  }
0x42: {  	_ =	shalt  }
0x43: {  	_ =	shalt  }
0x44: {  	_ =	shalt  }
0x45: {  	_ =	shalt  }
0x46: {  	_ =	shalt  }
0x47: {  	_ =	shalt  }
0x48: {  	_ =	shalt  }
0x49: {  	_ =	shalt  }
0x4a: {  	_ =	shalt  }
0x4b: {  	_ =	shalt  }
0x4c: {  	_ =	shalt  }
0x4d: {  	_ =	shalt  }
0x4e: {  	_ =	shalt  }
0x4f: {  	_ =	shalt  }
0x50: {  	_ =	shalt  }
0x51: {  	_ =	shalt  }
0x52: {  	_ =	shalt  }
0x53: {  	_ =	shalt  }
0x54: {  	_ =	shalt  }
0x55: {  	_ =	shalt  }
0x56: {  	_ =	shalt  }
0x57: {  	_ =	shalt  }
0x58: {  	_ =	shalt  }
0x59: {  	_ =	shalt  }
0x5a: {  	_ =	shalt  }
0x5b: {  	_ =	shalt  }
0x5c: {  	_ =	shalt  }
0x5d: {  	_ =	shalt  }
0x5e: {  	_ =	shalt  }
0x5f: {  	_ =	shalt  }
0x60: {  	_ =	shalt  }
0x61: {  	_ =	shalt  }
0x62: {  	_ =	shalt  }
0x63: {  	_ =	shalt  }
0x64: {  	_ =	shalt  }
0x65: {  	_ =	shalt  }
0x66: {  	_ =	shalt  }
0x67: {  	_ =	shalt  }
0x68: {  	_ =	shalt  }
0x69: {  	_ =	shalt  }
0x6a: {  	_ =	shalt  }
0x6b: {  	_ =	shalt  }
0x6c: {  	_ =	shalt  }
0x6d: {  	_ =	shalt  }
0x6e: {  	_ =	shalt  }
0x6f: {  	_ =	shalt  }
0x70: {  	_ =	shalt  }
0x71: {  	_ =	shalt  }
0x72: {  	_ =	shalt  }
0x73: {  	_ =	shalt  }
0x74: {  	_ =	shalt  }
0x75: {  	_ =	shalt  }
0x76: {  	_ =	shalt  }
0x77: {  	_ =	shalt  }
0x78: {  	_ =	shalt  }
0x79: {  	_ =	shalt  }
0x7a: {  	_ =	shalt  }
0x7b: {  	_ =	shalt  }
0x7c: {  	_ =	shalt  }
0x7d: {  	_ =	shalt  }
0x7e: {  	_ =	shalt  }
0x7f: {  	_ =	shalt  }
0x80: {  	_ =	shalt  }
0x81: {  	_ =	shalt  }
0x82: {  	_ =	shalt  }
0x83: {  	_ =	shalt  }
0x84: {  	_ =	shalt  }
0x85: {  	_ =	shalt  }
0x86: {  	_ =	shalt  }
0x87: {  	_ =	shalt  }
.Lfunc_end0:
.L_simem_size_0:
called_computation_lowered:
.L_overlay_start_0:
0x88: {  	s2 =	sld [smem:$0x3FD9]  }
0x89: {  	s3 =	sld [smem:$0x3FFE];
	_ =	sdelay $0x1  }
0x8a: {  	s1 =	srdreg.scid  }
0x8b: {  	s0 =	sand.u32 $0x1, s1  }
0x8c: {  	s17 =	sshll.u32 s0, $0xA;
	s2 =	sadd.s32 s3, s2  }
0x8d: {  	s2 =	sadd.s32 s2, s17  }
0x8e: {  	[smem:$0x3FC6] =	sst s2  }
0x8f: {  	_ = 	snop  }
0x90: {  	s2 =	sld [smem:$0x3FC9]  }
0x91: {  	s18 =	sld [smem:$0x3FD0];
	(tm) =	ssettm $0x1  }
0x92: {  	s4 =	sld [smem:$0x3FFB];
	_ =	sdelay $0x3  }
0x93: {  	_ =	strace s4  }
0x94: {  	s4 =	sld [smem:$0x3FFC];
	_ =	sdelay $0x3  }
0x95: {  	_ =	strace s4  }
0x96: {  	s4 =	sld [smem:$0x3FFD];
	_ =	sdelay $0x3  }
0x97: {  	_ =	strace s4  }
0x98: {  	_ =	strace $0x8FFFFFFF  }
0x99: {  	s19 =	sld [smem:$0x3FDB];
	_ =	sdelay $0x1  }
0x9a: {  	s5 =	simm.s32 $_scs_section_size  }
0x9b: {  	s6 =	simm.s32 $_size__tile_overlayer_lowered;
	s7 =	simm.s32 $_tile_overlayer_lowered  }
0x9c: {  	s22 =	simm.s32 $0x1BFF;
	s21 =	sshll.u32 s7, $0x1;
	s4 =	sadd.s32 s5, s19  }
0x9d: {  	s8 =	simm.s32 $0x0;
	s20 =	sshll.u32 s6, $0x1;
	s6 =	sadd.s32 s21, s4  }
0x9e: {  	[timem:s8], [sflag:s22] =	dma.local [hbm:s6], s20  }
0x9f: {  	_ =	swait.ge [sflag:s22], s20  }
0xa0: {  	s5 =	ssub.s32 $0x0, s20;
	[sflag:s22] =	ssyncset.done $0x0  }
0xa1: {  	[sflag:s22] =	ssyncadd.s32 s5;
	_ =	sdelay $0x1  }
0xa2: {  	s23 =	simm.s32 $0x1B8B  }
0xa3: {  	_ =	swait.ge [sflag:s23], $0x1  }
0xa4: {  	[sflag:s23] =	ssyncset.done $0x0  }
0xa5: {  	s25 =	simm.s32 $0x1B8E;
	s24 =	sld [smem:$0x3FFE];
	[sflag:s23] =	ssyncadd.s32 $0xFFFFFFFF  }
0xa6: {  	s26 =	simm.s32 $execute0_lowered;
	[smem:$0x3FD2] =	sst s25  }
0xa7: {  	s6 =	sshll.u32 s26, $0x1;
	_ =	strace $0x80000046;
	[dreg:$0x1] =	wrdreg $0xFFFFFFFF  }
0xa8: {  	s28 =	simm.s32 $_size_execute0_lowered;
	s4 =	sadd.s32 s4, s6;
	[dreg:$0x0] =	wrdreg $0x0  }
0xa9: {  	s6 =	sshll.u32 s28, $0x1;
	[dreg:$0x2] =	wrdreg s4  }
0xaa: {  	[dreg:$0x3] =	wrdreg s6  }
0xab: {  	[dreg:$0x4] =	wrdreg $0xC0  }
0xac: {  	_ =	task [dreg:s8], $0x5FFFF  }
0xad: {  	[dreg:$0x1] =	wrdreg $0xFFFFFFFF  }
0xae: {  	[dreg:$0x0] =	wrdreg $0x60  }
0xaf: {  	[dreg:$0x2] =	wrdreg s2  }
0xb0: {  	[dreg:$0x3] =	wrdreg s24  }
0xb1: {  	[dreg:$0x4] =	wrdreg s18  }
0xb2: {  	[dreg:$0x5] =	wrdreg $0x9  }
0xb3: {  	_ =	task.clear_ibuf [dreg:s8], $0x6FFFF;
	_ =	strace $0x90000046  }
0xb4: {  	s29 =	simm.s32 $0x9;
	_ =	strace $0x80000048  }
0xb5: {  	_ =	swait.ge [sflag:s29], $0x1  }
0xb6: {  	[sflag:s29] =	ssyncadd.s32 $0xFFFFFFFF  }
0xb7: {  	_ =	strace $0x90000048  }
0xb8: {  	_ =	sfence  }
0xb9: {  	s30 =	sld [smem:$0x0];
	_ =	sdelay $0x2  }
0xba: {  	s31 =	sshll.u32 s1, $0xD;
	s1 =	sshrl.u32 s1, $0x2  }
0xbb: {  	s3 =	sand.u32 $0x4000, s31;
	s1 =	sadd.s32 s1, s30  }
0xbc: {  	s0 =	sor.u32 s3, s0;
	s1 =	sshll.u32 s1, $0x11  }
0xbd: {  	s0 =	sor.u32 s1, s0  }
0xbe: {  	s0 =	sadd.s32 $0x8F2B, s0  }
0xbf: {  	[sflag:s0] =	ssyncadd.remote.s32 $0x1  }
0xc0: {  	_ =	sfence.sel $0xFFFF  }
0xc1: {  	[dreg:$0x0] =	wrdreg $0xFFFFFFFF;
	(pc) =	sbr.abs _section_cstart, $3  }
0xc2: {  	[dreg:$0x1] =	wrdreg $0xFFFFFFFF  }
0xc3: {  	_ =	task.clear_ibuf [dreg:s8], $0x2FFFF;
	_ =	strace $0x9FFFFFFF  }
0xc4: {  	(tm) =	ssettm $0x7FFFFFFF  }
0xc5: {  	_ =	shalt  }
tec
execute0_lowered:
.L_overlay_start_1:
0x0: {  	(tag) =	ssettag $0x1  }
0x1: {  	s3 =	rddreg [dreg:$0x0]  }
0x2: {  	s1 =	srdreg.scid;
	s0 =	stileid.u32  }
0x3: {  	s5 =	rddreg [dreg:$0x1];
	s6 =	sand.u32 $0x1, s1;
	s30 =	sshll.u32 s0, $0x1  }
0x4: {  	s8 =	rddreg [dreg:$0x2];
	s2 =	simm.s32 $0x0;
	s9 =	sor.u32 s6, s30  }
0x5: {  	[smem:$0x7FF] =	sst s2;
	s4 =	smul.u32 $0xC8, s9  }
0x6: {  	s1 =	rddreg [dreg:$0x3];
	_ =	strace $0x80000047  }
0x7: {  	s10 =	ssub.s32 $0x2, s6;
	s4 =	sadd.s32 s3, s4;
	s3 =	simm.s32 $0x2  }
0x8: {  	[tilespmem:s2], [sflag:$0x2] =	stream.linear.gather [hbm4b:s4+s2], $0x640, $0x38;
	[tilespmem:$0x19640] =	vst v63  }
0x9: {  	s7 =	simm.s32 $0x1;
	s11 =	sshrl.u32 s10, $0x1;
	_ =	swait.ge [sflag:s3], $0x640  }
0xa: {  	s5 =	sadd.s32 $0x186E00, s5;
	s10 =	ssub.s32 s10, s11;
	[sflag:s3] =	ssyncset.done $0x0  }
0xb: {  	s6 =	simm.s32 $0x640;
	s31 =	smax.u32 s10, $0x1;
	[sflag:s3] =	ssyncadd.s32 $0xFFFFF9C0  }
0xc: {  	[tilespmem:s6], [sflag:$0x1] =	stream.indirect.gather [hbm4b:s5+s6], $0x40, s2, s6, $0xb8;
	[tilespmem:$0x19640] =	vst v63  }
0xd: {  	s9 =	smul.u32 $0x3200, s9;
	p0 =	sne.s32 s31, $0x1;
	_ =	swait.ge [sflag:s7], $0x19000  }
.Ltmp0:
0xe: {  	[sflag:s7] =	ssyncset.done $0x0;
	(pc) =	sbr.rel @!p0 .LBB2_2-.Ltmp0, $4  }
0xf: {  	s8 =	sadd.s32 s8, s9;
	[sflag:s7] =	ssyncadd.s32 $0xFFFE7000  }
0x10: {  	[hbm4b:s8+s2] =	stream.linear.scatter [tilespmem:s6], [sflag:$0x2], $0x19000, $0x38;
	[tilespmem:$0x19640] =	vst v63  }
0x11: {  	_ =	swait.ge [sflag:s3], $0x19000  }
0x12: {  	s9 =	sadd.s32 $0xFFFFFFFF, s31;
	[sflag:s3] =	ssyncset.done $0x0  }
.LBB2_1:
0x13: {  	p0 =	sne.s32 s9, $0x1;
	s9 =	sadd.s32 $0xFFFFFFFF, s9;
	[sflag:s3] =	ssyncadd.s32 $0xFFFE7000  }
0x14: {  	[tilespmem:s2], [sflag:$0x2] =	stream.linear.gather [hbm4b:s4+s2], $0x640, $0x38;
	[tilespmem:$0x19640] =	vst v63  }
0x15: {  	_ =	swait.ge [sflag:s3], $0x640  }
0x16: {  	[sflag:s3] =	ssyncset.done $0x0  }
0x17: {  	[sflag:s3] =	ssyncadd.s32 $0xFFFFF9C0  }
0x18: {  	[tilespmem:s6], [sflag:$0x1] =	stream.indirect.gather [hbm4b:s5+s6], $0x40, s2, s6, $0xb8;
	[tilespmem:$0x19640] =	vst v63  }
0x19: {  	_ =	swait.ge [sflag:s7], $0x19000  }
.Ltmp1:
0x1a: {  	[sflag:s7] =	ssyncset.done $0x0;
	(pc) =	sbr.rel @p0 .LBB2_1-.Ltmp1, $4  }
0x1b: {  	[sflag:s7] =	ssyncadd.s32 $0xFFFE7000  }
0x1c: {  	[hbm4b:s8+s2] =	stream.linear.scatter [tilespmem:s6], [sflag:$0x2], $0x19000, $0x38;
	[tilespmem:$0x19640] =	vst v63  }
0x1d: {  	_ =	swait.ge [sflag:s3], $0x19000  }
0x1e: {  	[sflag:s3] =	ssyncset.done $0x0  }
.LBB2_2:
0x1f: {  	[sflag:s3] =	ssyncadd.s32 $0xFFFE7000  }
0x20: {  	_ =	sfence.sel $0x180000  }
0x21: {  	[bflag:$0x0] =	sbarrier.arrive $0xFFFF  }
0x22: {  	p0 =	sne.s32 s0, $0x0;
	_ =	strace $0x90000047  }
0x23: {  	s0 =	sadd.s32 @!p0 $0x100000, s1;
	[bflag:$0x2] =	sbarrier.arrive $0xFFFF  }
0x24: {  	[sflag:s0] =	ssyncadd.tile.s32 @!p0 $0x1;
	_ =	shalt  }
.Lfunc_end2:
_tile_overlayer_lowered:
.L_overlay_start_2:
0x25: {  	(tag) =	ssettag $0x2  }
0x26: {  	s0 =	rddreg [dreg:$0x0];
	s2 =	stileid.u32  }
0x27: {  	s1 =	rddreg [dreg:$0x1];
	p0 =	sne.s32 s2, $0x0  }
0x28: {  	s3 =	rddreg [dreg:$0x2];
	[bflag:$0x3] =	sbarrier.arrive $0xFFFF;
	s2 =	simm.s32 @!p0 $0x1C02  }
0x29: {  	[timem:s3], [sflag:s2] =	dma.local @!p0 [hbm:s0], s1  }
0x2a: {  	s0 =	simm.s32 @!p0 $0x2  }
0x2b: {  	_ =	swait.ge @!p0 [sflag:s0], s1  }
0x2c: {  	s1 =	ssub.s32 @!p0 $0x0, s1;
	[sflag:s0] =	ssyncset.done @!p0 $0x0  }
0x2d: {  	[sflag:s0] =	ssyncadd.s32 @!p0 s1  }
0x2e: {  	[bflag:$0x3] =	sbarrier.arrive $0xFFFF  }
0x2f: {  	_ =	shalt  }

</sc_bundles>
